<compile_context>
chip_gen: v7x
topology: tpu7x:2x2x1
jax: 0.10.2.dev20260603
libtpu: 0.0.44.dev20260713+nightly
codegen_flags: <defaults>
</compile_context>

<pallas_src>
import functools

import jax
import jax.numpy as jnp
from jax import lax
from jax.experimental import pallas as pl
from jax.experimental.pallas import tpu as pltpu
from jax.experimental.pallas import tpu_sc as plsc

HIDDEN = 2048
NUM_EXPERTS = 8
TOP_K = 2
BLOCK_ROWS = 2048
TC_LANES = 128

NC = 2
NS = 16
NW = NC * NS
LANES = 16


def _logits_block(x_ref, w_ref, out_ref):
    logits_t = jax.lax.dot_general(
        w_ref[...], x_ref[...],
        dimension_numbers=(((1,), (1,)), ((), ())),
        preferred_element_type=jnp.float32,
    )
    r = x_ref.shape[0]
    parts = [logits_t[:, tb * TC_LANES:(tb + 1) * TC_LANES]
             for tb in range(r // TC_LANES)]
    out_ref[...] = jnp.concatenate(parts, axis=0)


def _tc_logits(x, gate_w, n, h):
    grid = (n // BLOCK_ROWS,)
    rows_per_block = BLOCK_ROWS * NUM_EXPERTS // TC_LANES
    return pl.pallas_call(
        _logits_block,
        grid=grid,
        in_specs=[
            pl.BlockSpec((BLOCK_ROWS, h), lambda i: (i, 0)),
            pl.BlockSpec((NUM_EXPERTS, h), lambda i: (0, 0)),
        ],
        out_specs=pl.BlockSpec((rows_per_block, TC_LANES), lambda i: (i, 0)),
        out_shape=jax.ShapeDtypeStruct(
            (n * NUM_EXPERTS // TC_LANES, TC_LANES), jnp.float32),
    )(x, gate_w)


def _make_sc_router(n):
    chunk = n // NW
    tblocks = chunk // TC_LANES
    vgroups = TC_LANES // LANES
    mesh = plsc.VectorSubcoreMesh(
        core_axis_name="c", subcore_axis_name="s",
        num_cores=NC, num_subcores=NS)

    @functools.partial(
        pl.kernel,
        mesh=mesh,
        compiler_params=pltpu.CompilerParams(needs_layout_passes=False),
        out_type=[
            jax.ShapeDtypeStruct((n * NUM_EXPERTS,), jnp.float32),
            jax.ShapeDtypeStruct((n * TOP_K,), jnp.int32),
            jax.ShapeDtypeStruct((n * TOP_K,), jnp.float32),
        ],
        scratch_types=[
            pltpu.VMEM((chunk * NUM_EXPERTS,), jnp.float32),
            pltpu.VMEM((chunk * NUM_EXPERTS,), jnp.float32),
            pltpu.VMEM((chunk * TOP_K,), jnp.int32),
            pltpu.VMEM((chunk * TOP_K,), jnp.float32),
        ],
    )
    def sc_router(lg_hbm, probs_hbm, idx_hbm, wts_hbm, lg_v, p_v, i_v, w_v):
        wid = lax.axis_index("s") * NC + lax.axis_index("c")
        base = wid * chunk
        pltpu.sync_copy(
            lg_hbm.at[pl.ds(base * NUM_EXPERTS, chunk * NUM_EXPERTS)], lg_v)

        lane = lax.iota(jnp.int32, LANES)
        neg1 = jnp.full((LANES,), -1.0, jnp.float32)

        @pl.loop(0, 1)
        def _(tb):
            tb_off = tb * (TC_LANES * NUM_EXPERTS)

            @pl.loop(0, vgroups)
            def _(v):
                off = tb_off + v * LANES
                ls = [lg_v[pl.ds(off + e * TC_LANES, LANES)]
                      for e in range(NUM_EXPERTS)]
                m = ls[0]
                for e in range(1, NUM_EXPERTS):
                    m = jnp.maximum(m, ls[e])
                es = [jnp.exp(l - m) for l in ls]
                ssum = es[0]
                for e in range(1, NUM_EXPERTS):
                    ssum = ssum + es[e]
                ps = [x / ssum for x in es]

                v1 = ps[0]
                i1 = jnp.zeros((LANES,), jnp.int32)
                for e in range(1, NUM_EXPERTS):
                    e_vec = jnp.full((LANES,), e, jnp.int32)
                    gt = ps[e] > v1
                    v1 = jnp.where(gt, ps[e], v1)
                    i1 = jnp.where(gt, e_vec, i1)
                v2 = jnp.where(i1 == 0, neg1, ps[0])
                i2 = jnp.zeros((LANES,), jnp.int32)
                for e in range(1, NUM_EXPERTS):
                    e_vec = jnp.full((LANES,), e, jnp.int32)
                    pe = jnp.where(i1 == e_vec, neg1, ps[e])
                    gt = pe > v2
                    v2 = jnp.where(gt, pe, v2)
                    i2 = jnp.where(gt, e_vec, i2)

                tok = tb * TC_LANES + v * LANES + lane
                tok8 = tok * NUM_EXPERTS
                for e in range(NUM_EXPERTS):
                    plsc.store_scatter(p_v, [tok8 + e], ps[e])
                tok2 = tok * TOP_K
                plsc.store_scatter(i_v, [tok2], i1)
                plsc.store_scatter(i_v, [tok2 + 1], i2)
                denom = v1 + v2
                plsc.store_scatter(w_v, [tok2], v1 / denom)
                plsc.store_scatter(w_v, [tok2 + 1], v2 / denom)

        pltpu.sync_copy(p_v, probs_hbm.at[pl.ds(base * NUM_EXPERTS,
                                                chunk * NUM_EXPERTS)])
        pltpu.sync_copy(i_v, idx_hbm.at[pl.ds(base * TOP_K, chunk * TOP_K)])
        pltpu.sync_copy(w_v, wts_hbm.at[pl.ds(base * TOP_K, chunk * TOP_K)])

    return sc_router


@jax.jit
def kernel(hidden_states, gate_w):
    b, s, h = hidden_states.shape
    n = b * s
    x = hidden_states.reshape(n, h)

    logits_f = _tc_logits(x, gate_w, n, h)
    probs_f, idx_f, wts_f = _make_sc_router(n)(logits_f.reshape(-1))

    return (
        probs_f.reshape(b, s, NUM_EXPERTS),
        idx_f.reshape(b, s, TOP_K),
        wts_f.reshape(b, s, TOP_K),
    )

# --- scband reference (transcript-rebuilt; emitter-appended) ---
"""Pipeline reference for scband-router-1855425872526 (READ-ONLY COPY).

The authoritative reference and input builder live on the scoring server;
editing this copy changes nothing except your own understanding.
"""

import jax, jax.numpy as jnp
import numpy as np

HIDDEN = 2048
NUM_EXPERTS = 8
TOP_K = 2

def setup_inputs(seed: int = 0) -> dict:
    key = jax.random.key(seed)
    k1, k2 = jax.random.split(key)
    hidden_states = jax.random.normal(k1, (4, 8192, HIDDEN), dtype=jnp.float32)
    # nn.Linear(hidden_size, num_experts, bias=False).weight has shape [num_experts, hidden_size]
    bound = 1.0 / np.sqrt(HIDDEN)
    gate_w = jax.random.uniform(k2, (NUM_EXPERTS, HIDDEN), dtype=jnp.float32, minval=-bound, maxval=bound)
    return {"hidden_states": hidden_states, "gate_w": gate_w}

def reference(hidden_states, gate_w):
    # router logits: [B, S, E] = hidden_states @ gate_w.T (eval mode: no jitter noise)
    router_logits = jnp.einsum('bsh,eh->bse', hidden_states, gate_w)
    router_probs = jax.nn.softmax(router_logits, axis=-1)
    expert_weights, expert_indices = jax.lax.top_k(router_probs, TOP_K)
    expert_weights = expert_weights / jnp.sum(expert_weights, axis=-1, keepdims=True)
    return (router_probs, expert_indices, expert_weights)

if __name__ == "__main__":
    import jax
    _d = setup_inputs()
    print(jax.jit(kernel)(*tuple(_d.values())))

</pallas_src>

<mosaic_0001>
#map = affine_map<(d0, d1) -> (0)>
module attributes {stable_mosaic.version = 14 : i64} {
  func.func @sc_router(%arg0: i32, %arg1: i32, %arg2: memref<262144xf32, #tpu.memory_space<hbm>>, %arg3: memref<262144xf32, #tpu.memory_space<hbm>>, %arg4: memref<65536xi32, #tpu.memory_space<hbm>>, %arg5: memref<65536xf32, #tpu.memory_space<hbm>>, %arg6: memref<8192xf32, #tpu.memory_space<vmem>>, %arg7: memref<8192xf32, #tpu.memory_space<vmem>>, %arg8: memref<2048xi32, #tpu.memory_space<vmem>>, %arg9: memref<2048xf32, #tpu.memory_space<vmem>>) attributes {dimension_semantics = [#tpu.dimension_semantics<core_parallel>, #tpu.dimension_semantics<subcore_parallel>], iteration_bounds = array<i64: 2, 16>, scalar_prefetch = 0 : i64, scratch_operands = 4 : i64, tpu.core_type = #tpu.core_type<sc_vector_subcore>, window_params = [{transform_indices = #map}, {transform_indices = #map}, {transform_indices = #map}, {transform_indices = #map}]} {
    %mul3A = arith.constant 2 : i32
    %mul3A_0 = arith.muli %arg1, %mul3A : i32
    %add3A = arith.addi %mul3A_0, %arg0 : i32
    %mul3A_1 = arith.constant 1024 : i32
    %mul3A_2 = arith.muli %add3A, %mul3A_1 : i32
    %mul3A_3 = arith.constant 8 : i32
    %mul3A_4 = arith.muli %mul3A_2, %mul3A_3 : i32
    "tpu.region"() ({
      %run_scoped3A = tpu.sem_alloc : memref<!tpu.dma_semaphore, #tpu.memory_space<semaphore_mem>>
      %dma_start3A = tpu.memref_slice %arg2[%mul3A_4] : memref<262144xf32, #tpu.memory_space<hbm>> -> memref<8192xf32, #tpu.memory_space<hbm>>
      %dma_start3A_24 = tpu.memref_slice %arg2[%mul3A_4] : memref<262144xf32, #tpu.memory_space<hbm>> -> memref<8192xf32, #tpu.memory_space<hbm>>
      tpu.enqueue_dma source(%dma_start3A_24 : memref<8192xf32, #tpu.memory_space<hbm>>) target(%arg6 : memref<8192xf32, #tpu.memory_space<vmem>>) target_semaphore(%run_scoped3A : memref<!tpu.dma_semaphore, #tpu.memory_space<semaphore_mem>>)
      %dma_wait3A = tpu.memref_slice %arg2[%mul3A_4] : memref<262144xf32, #tpu.memory_space<hbm>> -> memref<8192xf32, #tpu.memory_space<hbm>>
      %dma_wait3A_25 = tpu.memref_slice %arg2[%mul3A_4] : memref<262144xf32, #tpu.memory_space<hbm>> -> memref<8192xf32, #tpu.memory_space<hbm>>
      tpu.wait_dma2 semaphore(%run_scoped3A : memref<!tpu.dma_semaphore, #tpu.memory_space<semaphore_mem>>) src(%dma_wait3A_25 : memref<8192xf32, #tpu.memory_space<hbm>>) dst(%arg6 : memref<8192xf32, #tpu.memory_space<vmem>>)
      tpu.yield
    }) : () -> ()
    %iota3A = tpu.iota {dimensions = array<i32: 0>} : vector<16xi32>
    %broadcast_in_dim3A = arith.constant -1.000000e+00 : f32
    %broadcast_in_dim3A_5 = vector.broadcast %broadcast_in_dim3A : f32 to vector<16xf32>
    %scan3A = arith.constant 0 : i32
    %mul3A_6 = arith.constant 1 : i32
    %mul3A_7 = arith.muli %scan3A, %mul3A_6 : i32
    %add3A_8 = arith.constant 0 : i32
    %add3A_9 = arith.addi %add3A_8, %mul3A_7 : i32
    %mul3A_10 = arith.constant 1024 : i32
    %mul3A_11 = arith.muli %add3A_9, %mul3A_10 : i32
    %scan3A_12 = arith.constant 0 : i32
    %scan3A_13 = arith.constant 8 : i32
    %scan3A_14 = arith.addi %scan3A_12, %scan3A_13 : i32
    %scan3A_15 = arith.constant 1 : i32
    scf.for %scan3A_24 = %scan3A_12 to %scan3A_14 step %scan3A_15  : i32 {
      %mul3A_25 = arith.constant 1 : i32
      %mul3A_26 = arith.muli %scan3A_24, %mul3A_25 : i32
      %add3A_27 = arith.constant 0 : i32
      %add3A_28 = arith.addi %add3A_27, %mul3A_26 : i32
      %mul3A_29 = arith.constant 16 : i32
      %mul3A_30 = arith.muli %add3A_28, %mul3A_29 : i32
      %add3A_31 = arith.addi %mul3A_11, %mul3A_30 : i32
      %add3A_32 = arith.constant 0 : i32
      %add3A_33 = arith.addi %add3A_31, %add3A_32 : i32
      %get3A = arith.index_cast %add3A_33 : i32 to index
      %get3A_34 = tpu.vector_load %arg6[%get3A] {strides = array<i32>} : memref<8192xf32, #tpu.memory_space<vmem>>, vector<16xf32>,
      %add3A_35 = arith.constant 128 : i32
      %add3A_36 = arith.addi %add3A_31, %add3A_35 : i32
      %get3A_37 = arith.index_cast %add3A_36 : i32 to index
      %get3A_38 = tpu.vector_load %arg6[%get3A_37] {strides = array<i32>} : memref<8192xf32, #tpu.memory_space<vmem>>, vector<16xf32>,
      %add3A_39 = arith.constant 256 : i32
      %add3A_40 = arith.addi %add3A_31, %add3A_39 : i32
      %get3A_41 = arith.index_cast %add3A_40 : i32 to index
      %get3A_42 = tpu.vector_load %arg6[%get3A_41] {strides = array<i32>} : memref<8192xf32, #tpu.memory_space<vmem>>, vector<16xf32>,
      %add3A_43 = arith.constant 384 : i32
      %add3A_44 = arith.addi %add3A_31, %add3A_43 : i32
      %get3A_45 = arith.index_cast %add3A_44 : i32 to index
      %get3A_46 = tpu.vector_load %arg6[%get3A_45] {strides = array<i32>} : memref<8192xf32, #tpu.memory_space<vmem>>, vector<16xf32>,
      %add3A_47 = arith.constant 512 : i32
      %add3A_48 = arith.addi %add3A_31, %add3A_47 : i32
      %get3A_49 = arith.index_cast %add3A_48 : i32 to index
      %get3A_50 = tpu.vector_load %arg6[%get3A_49] {strides = array<i32>} : memref<8192xf32, #tpu.memory_space<vmem>>, vector<16xf32>,
      %add3A_51 = arith.constant 640 : i32
      %add3A_52 = arith.addi %add3A_31, %add3A_51 : i32
      %get3A_53 = arith.index_cast %add3A_52 : i32 to index
      %get3A_54 = tpu.vector_load %arg6[%get3A_53] {strides = array<i32>} : memref<8192xf32, #tpu.memory_space<vmem>>, vector<16xf32>,
      %add3A_55 = arith.constant 768 : i32
      %add3A_56 = arith.addi %add3A_31, %add3A_55 : i32
      %get3A_57 = arith.index_cast %add3A_56 : i32 to index
      %get3A_58 = tpu.vector_load %arg6[%get3A_57] {strides = array<i32>} : memref<8192xf32, #tpu.memory_space<vmem>>, vector<16xf32>,
      %add3A_59 = arith.constant 896 : i32
      %add3A_60 = arith.addi %add3A_31, %add3A_59 : i32
      %get3A_61 = arith.index_cast %add3A_60 : i32 to index
      %get3A_62 = tpu.vector_load %arg6[%get3A_61] {strides = array<i32>} : memref<8192xf32, #tpu.memory_space<vmem>>, vector<16xf32>,
      %max3A = arith.maximumf %get3A_34, %get3A_38 : vector<16xf32>
      %max3A_63 = arith.maximumf %max3A, %get3A_42 : vector<16xf32>
      %max3A_64 = arith.maximumf %max3A_63, %get3A_46 : vector<16xf32>
      %max3A_65 = arith.maximumf %max3A_64, %get3A_50 : vector<16xf32>
      %max3A_66 = arith.maximumf %max3A_65, %get3A_54 : vector<16xf32>
      %max3A_67 = arith.maximumf %max3A_66, %get3A_58 : vector<16xf32>
      %max3A_68 = arith.maximumf %max3A_67, %get3A_62 : vector<16xf32>
      %sub3A = arith.subf %get3A_34, %max3A_68 : vector<16xf32>
      %exp3A = math.exp %sub3A : vector<16xf32>
      %sub3A_69 = arith.subf %get3A_38, %max3A_68 : vector<16xf32>
      %exp3A_70 = math.exp %sub3A_69 : vector<16xf32>
      %sub3A_71 = arith.subf %get3A_42, %max3A_68 : vector<16xf32>
      %exp3A_72 = math.exp %sub3A_71 : vector<16xf32>
      %sub3A_73 = arith.subf %get3A_46, %max3A_68 : vector<16xf32>
      %exp3A_74 = math.exp %sub3A_73 : vector<16xf32>
      %sub3A_75 = arith.subf %get3A_50, %max3A_68 : vector<16xf32>
      %exp3A_76 = math.exp %sub3A_75 : vector<16xf32>
      %sub3A_77 = arith.subf %get3A_54, %max3A_68 : vector<16xf32>
      %exp3A_78 = math.exp %sub3A_77 : vector<16xf32>
      %sub3A_79 = arith.subf %get3A_58, %max3A_68 : vector<16xf32>
      %exp3A_80 = math.exp %sub3A_79 : vector<16xf32>
      %sub3A_81 = arith.subf %get3A_62, %max3A_68 : vector<16xf32>
      %exp3A_82 = math.exp %sub3A_81 : vector<16xf32>
      %add3A_83 = arith.addf %exp3A, %exp3A_70 : vector<16xf32>
      %add3A_84 = arith.addf %add3A_83, %exp3A_72 : vector<16xf32>
      %add3A_85 = arith.addf %add3A_84, %exp3A_74 : vector<16xf32>
      %add3A_86 = arith.addf %add3A_85, %exp3A_76 : vector<16xf32>
      %add3A_87 = arith.addf %add3A_86, %exp3A_78 : vector<16xf32>
      %add3A_88 = arith.addf %add3A_87, %exp3A_80 : vector<16xf32>
      %add3A_89 = arith.addf %add3A_88, %exp3A_82 : vector<16xf32>
      %div3A = arith.divf %exp3A, %add3A_89 : vector<16xf32>
      %div3A_90 = arith.divf %exp3A_70, %add3A_89 : vector<16xf32>
      %div3A_91 = arith.divf %exp3A_72, %add3A_89 : vector<16xf32>
      %div3A_92 = arith.divf %exp3A_74, %add3A_89 : vector<16xf32>
      %div3A_93 = arith.divf %exp3A_76, %add3A_89 : vector<16xf32>
      %div3A_94 = arith.divf %exp3A_78, %add3A_89 : vector<16xf32>
      %div3A_95 = arith.divf %exp3A_80, %add3A_89 : vector<16xf32>
      %div3A_96 = arith.divf %exp3A_82, %add3A_89 : vector<16xf32>
      %broadcast_in_dim3A_97 = arith.constant 0 : i32
      %broadcast_in_dim3A_98 = vector.broadcast %broadcast_in_dim3A_97 : i32 to vector<16xi32>
      %broadcast_in_dim3A_99 = arith.constant 1 : i32
      %broadcast_in_dim3A_100 = vector.broadcast %broadcast_in_dim3A_99 : i32 to vector<16xi32>
      %gt3A = arith.cmpf ogt, %div3A_90, %div3A : vector<16xf32>
      %select_n3A = arith.select %gt3A, %div3A_90, %div3A : vector<16xi1>, vector<16xf32>
      %select_n3A_101 = arith.select %gt3A, %broadcast_in_dim3A_100, %broadcast_in_dim3A_98 : vector<16xi1>, vector<16xi32>
      %broadcast_in_dim3A_102 = arith.constant 2 : i32
      %broadcast_in_dim3A_103 = vector.broadcast %broadcast_in_dim3A_102 : i32 to vector<16xi32>
      %gt3A_104 = arith.cmpf ogt, %div3A_91, %select_n3A : vector<16xf32>
      %select_n3A_105 = arith.select %gt3A_104, %div3A_91, %select_n3A : vector<16xi1>, vector<16xf32>
      %select_n3A_106 = arith.select %gt3A_104, %broadcast_in_dim3A_103, %select_n3A_101 : vector<16xi1>, vector<16xi32>
      %broadcast_in_dim3A_107 = arith.constant 3 : i32
      %broadcast_in_dim3A_108 = vector.broadcast %broadcast_in_dim3A_107 : i32 to vector<16xi32>
      %gt3A_109 = arith.cmpf ogt, %div3A_92, %select_n3A_105 : vector<16xf32>
      %select_n3A_110 = arith.select %gt3A_109, %div3A_92, %select_n3A_105 : vector<16xi1>, vector<16xf32>
      %select_n3A_111 = arith.select %gt3A_109, %broadcast_in_dim3A_108, %select_n3A_106 : vector<16xi1>, vector<16xi32>
      %broadcast_in_dim3A_112 = arith.constant 4 : i32
      %broadcast_in_dim3A_113 = vector.broadcast %broadcast_in_dim3A_112 : i32 to vector<16xi32>
      %gt3A_114 = arith.cmpf ogt, %div3A_93, %select_n3A_110 : vector<16xf32>
      %select_n3A_115 = arith.select %gt3A_114, %div3A_93, %select_n3A_110 : vector<16xi1>, vector<16xf32>
      %select_n3A_116 = arith.select %gt3A_114, %broadcast_in_dim3A_113, %select_n3A_111 : vector<16xi1>, vector<16xi32>
      %broadcast_in_dim3A_117 = arith.constant 5 : i32
      %broadcast_in_dim3A_118 = vector.broadcast %broadcast_in_dim3A_117 : i32 to vector<16xi32>
      %gt3A_119 = arith.cmpf ogt, %div3A_94, %select_n3A_115 : vector<16xf32>
      %select_n3A_120 = arith.select %gt3A_119, %div3A_94, %select_n3A_115 : vector<16xi1>, vector<16xf32>
      %select_n3A_121 = arith.select %gt3A_119, %broadcast_in_dim3A_118, %select_n3A_116 : vector<16xi1>, vector<16xi32>
      %broadcast_in_dim3A_122 = arith.constant 6 : i32
      %broadcast_in_dim3A_123 = vector.broadcast %broadcast_in_dim3A_122 : i32 to vector<16xi32>
      %gt3A_124 = arith.cmpf ogt, %div3A_95, %select_n3A_120 : vector<16xf32>
      %select_n3A_125 = arith.select %gt3A_124, %div3A_95, %select_n3A_120 : vector<16xi1>, vector<16xf32>
      %select_n3A_126 = arith.select %gt3A_124, %broadcast_in_dim3A_123, %select_n3A_121 : vector<16xi1>, vector<16xi32>
      %broadcast_in_dim3A_127 = arith.constant 7 : i32
      %broadcast_in_dim3A_128 = vector.broadcast %broadcast_in_dim3A_127 : i32 to vector<16xi32>
      %gt3A_129 = arith.cmpf ogt, %div3A_96, %select_n3A_125 : vector<16xf32>
      %select_n3A_130 = arith.select %gt3A_129, %div3A_96, %select_n3A_125 : vector<16xi1>, vector<16xf32>
      %select_n3A_131 = arith.select %gt3A_129, %broadcast_in_dim3A_128, %select_n3A_126 : vector<16xi1>, vector<16xi32>
      %eq3A = arith.constant 0 : i32
      %eq3A_132 = vector.broadcast %eq3A : i32 to vector<16xi32>
      %eq3A_133 = arith.cmpi eq, %select_n3A_131, %eq3A_132 : vector<16xi32>
      %select_n3A_134 = arith.select %eq3A_133, %broadcast_in_dim3A_5, %div3A : vector<16xi1>, vector<16xf32>
      %broadcast_in_dim3A_135 = arith.constant 0 : i32
      %broadcast_in_dim3A_136 = vector.broadcast %broadcast_in_dim3A_135 : i32 to vector<16xi32>
      %broadcast_in_dim3A_137 = arith.constant 1 : i32
      %broadcast_in_dim3A_138 = vector.broadcast %broadcast_in_dim3A_137 : i32 to vector<16xi32>
      %eq3A_139 = arith.cmpi eq, %select_n3A_131, %broadcast_in_dim3A_138 : vector<16xi32>
      %select_n3A_140 = arith.select %eq3A_139, %broadcast_in_dim3A_5, %div3A_90 : vector<16xi1>, vector<16xf32>
      %gt3A_141 = arith.cmpf ogt, %select_n3A_140, %select_n3A_134 : vector<16xf32>
      %select_n3A_142 = arith.select %gt3A_141, %select_n3A_140, %select_n3A_134 : vector<16xi1>, vector<16xf32>
      %select_n3A_143 = arith.select %gt3A_141, %broadcast_in_dim3A_138, %broadcast_in_dim3A_136 : vector<16xi1>, vector<16xi32>
      %broadcast_in_dim3A_144 = arith.constant 2 : i32
      %broadcast_in_dim3A_145 = vector.broadcast %broadcast_in_dim3A_144 : i32 to vector<16xi32>
      %eq3A_146 = arith.cmpi eq, %select_n3A_131, %broadcast_in_dim3A_145 : vector<16xi32>
      %select_n3A_147 = arith.select %eq3A_146, %broadcast_in_dim3A_5, %div3A_91 : vector<16xi1>, vector<16xf32>
      %gt3A_148 = arith.cmpf ogt, %select_n3A_147, %select_n3A_142 : vector<16xf32>
      %select_n3A_149 = arith.select %gt3A_148, %select_n3A_147, %select_n3A_142 : vector<16xi1>, vector<16xf32>
      %select_n3A_150 = arith.select %gt3A_148, %broadcast_in_dim3A_145, %select_n3A_143 : vector<16xi1>, vector<16xi32>
      %broadcast_in_dim3A_151 = arith.constant 3 : i32
      %broadcast_in_dim3A_152 = vector.broadcast %broadcast_in_dim3A_151 : i32 to vector<16xi32>
      %eq3A_153 = arith.cmpi eq, %select_n3A_131, %broadcast_in_dim3A_152 : vector<16xi32>
      %select_n3A_154 = arith.select %eq3A_153, %broadcast_in_dim3A_5, %div3A_92 : vector<16xi1>, vector<16xf32>
      %gt3A_155 = arith.cmpf ogt, %select_n3A_154, %select_n3A_149 : vector<16xf32>
      %select_n3A_156 = arith.select %gt3A_155, %select_n3A_154, %select_n3A_149 : vector<16xi1>, vector<16xf32>
      %select_n3A_157 = arith.select %gt3A_155, %broadcast_in_dim3A_152, %select_n3A_150 : vector<16xi1>, vector<16xi32>
      %broadcast_in_dim3A_158 = arith.constant 4 : i32
      %broadcast_in_dim3A_159 = vector.broadcast %broadcast_in_dim3A_158 : i32 to vector<16xi32>
      %eq3A_160 = arith.cmpi eq, %select_n3A_131, %broadcast_in_dim3A_159 : vector<16xi32>
      %select_n3A_161 = arith.select %eq3A_160, %broadcast_in_dim3A_5, %div3A_93 : vector<16xi1>, vector<16xf32>
      %gt3A_162 = arith.cmpf ogt, %select_n3A_161, %select_n3A_156 : vector<16xf32>
      %select_n3A_163 = arith.select %gt3A_162, %select_n3A_161, %select_n3A_156 : vector<16xi1>, vector<16xf32>
      %select_n3A_164 = arith.select %gt3A_162, %broadcast_in_dim3A_159, %select_n3A_157 : vector<16xi1>, vector<16xi32>
      %broadcast_in_dim3A_165 = arith.constant 5 : i32
      %broadcast_in_dim3A_166 = vector.broadcast %broadcast_in_dim3A_165 : i32 to vector<16xi32>
      %eq3A_167 = arith.cmpi eq, %select_n3A_131, %broadcast_in_dim3A_166 : vector<16xi32>
      %select_n3A_168 = arith.select %eq3A_167, %broadcast_in_dim3A_5, %div3A_94 : vector<16xi1>, vector<16xf32>
      %gt3A_169 = arith.cmpf ogt, %select_n3A_168, %select_n3A_163 : vector<16xf32>
      %select_n3A_170 = arith.select %gt3A_169, %select_n3A_168, %select_n3A_163 : vector<16xi1>, vector<16xf32>
      %select_n3A_171 = arith.select %gt3A_169, %broadcast_in_dim3A_166, %select_n3A_164 : vector<16xi1>, vector<16xi32>
      %broadcast_in_dim3A_172 = arith.constant 6 : i32
      %broadcast_in_dim3A_173 = vector.broadcast %broadcast_in_dim3A_172 : i32 to vector<16xi32>
      %eq3A_174 = arith.cmpi eq, %select_n3A_131, %broadcast_in_dim3A_173 : vector<16xi32>
      %select_n3A_175 = arith.select %eq3A_174, %broadcast_in_dim3A_5, %div3A_95 : vector<16xi1>, vector<16xf32>
      %gt3A_176 = arith.cmpf ogt, %select_n3A_175, %select_n3A_170 : vector<16xf32>
      %select_n3A_177 = arith.select %gt3A_176, %select_n3A_175, %select_n3A_170 : vector<16xi1>, vector<16xf32>
      %select_n3A_178 = arith.select %gt3A_176, %broadcast_in_dim3A_173, %select_n3A_171 : vector<16xi1>, vector<16xi32>
      %broadcast_in_dim3A_179 = arith.constant 7 : i32
      %broadcast_in_dim3A_180 = vector.broadcast %broadcast_in_dim3A_179 : i32 to vector<16xi32>
      %eq3A_181 = arith.cmpi eq, %select_n3A_131, %broadcast_in_dim3A_180 : vector<16xi32>
      %select_n3A_182 = arith.select %eq3A_181, %broadcast_in_dim3A_5, %div3A_96 : vector<16xi1>, vector<16xf32>
      %gt3A_183 = arith.cmpf ogt, %select_n3A_182, %select_n3A_177 : vector<16xf32>
      %select_n3A_184 = arith.select %gt3A_183, %select_n3A_182, %select_n3A_177 : vector<16xi1>, vector<16xf32>
      %select_n3A_185 = arith.select %gt3A_183, %broadcast_in_dim3A_180, %select_n3A_178 : vector<16xi1>, vector<16xi32>
      %mul3A_186 = arith.constant 128 : i32
      %mul3A_187 = arith.muli %add3A_9, %mul3A_186 : i32
      %mul3A_188 = arith.constant 16 : i32
      %mul3A_189 = arith.muli %add3A_28, %mul3A_188 : i32
      %add3A_190 = arith.addi %mul3A_187, %mul3A_189 : i32
      %add3A_191 = vector.broadcast %add3A_190 : i32 to vector<16xi32>
      %add3A_192 = arith.addi %add3A_191, %iota3A : vector<16xi32>
      %mul3A_193 = arith.constant 8 : i32
      %mul3A_194 = vector.broadcast %mul3A_193 : i32 to vector<16xi32>
      %mul3A_195 = arith.muli %add3A_192, %mul3A_194 : vector<16xi32>
      %add3A_196 = arith.constant 0 : i32
      %add3A_197 = vector.broadcast %add3A_196 : i32 to vector<16xi32>
      %add3A_198 = arith.addi %mul3A_195, %add3A_197 : vector<16xi32>
      tpu.vector_store_idx %arg7[%add3A_198], %div3A : memref<8192xf32, #tpu.memory_space<vmem>>[vector<16xi32>], vector<16xf32>,
      %add3A_199 = arith.constant 1 : i32
      %add3A_200 = vector.broadcast %add3A_199 : i32 to vector<16xi32>
      %add3A_201 = arith.addi %mul3A_195, %add3A_200 : vector<16xi32>
      tpu.vector_store_idx %arg7[%add3A_201], %div3A_90 : memref<8192xf32, #tpu.memory_space<vmem>>[vector<16xi32>], vector<16xf32>,
      %add3A_202 = arith.constant 2 : i32
      %add3A_203 = vector.broadcast %add3A_202 : i32 to vector<16xi32>
      %add3A_204 = arith.addi %mul3A_195, %add3A_203 : vector<16xi32>
      tpu.vector_store_idx %arg7[%add3A_204], %div3A_91 : memref<8192xf32, #tpu.memory_space<vmem>>[vector<16xi32>], vector<16xf32>,
      %add3A_205 = arith.constant 3 : i32
      %add3A_206 = vector.broadcast %add3A_205 : i32 to vector<16xi32>
      %add3A_207 = arith.addi %mul3A_195, %add3A_206 : vector<16xi32>
      tpu.vector_store_idx %arg7[%add3A_207], %div3A_92 : memref<8192xf32, #tpu.memory_space<vmem>>[vector<16xi32>], vector<16xf32>,
      %add3A_208 = arith.constant 4 : i32
      %add3A_209 = vector.broadcast %add3A_208 : i32 to vector<16xi32>
      %add3A_210 = arith.addi %mul3A_195, %add3A_209 : vector<16xi32>
      tpu.vector_store_idx %arg7[%add3A_210], %div3A_93 : memref<8192xf32, #tpu.memory_space<vmem>>[vector<16xi32>], vector<16xf32>,
      %add3A_211 = arith.constant 5 : i32
      %add3A_212 = vector.broadcast %add3A_211 : i32 to vector<16xi32>
      %add3A_213 = arith.addi %mul3A_195, %add3A_212 : vector<16xi32>
      tpu.vector_store_idx %arg7[%add3A_213], %div3A_94 : memref<8192xf32, #tpu.memory_space<vmem>>[vector<16xi32>], vector<16xf32>,
      %add3A_214 = arith.constant 6 : i32
      %add3A_215 = vector.broadcast %add3A_214 : i32 to vector<16xi32>
      %add3A_216 = arith.addi %mul3A_195, %add3A_215 : vector<16xi32>
      tpu.vector_store_idx %arg7[%add3A_216], %div3A_95 : memref<8192xf32, #tpu.memory_space<vmem>>[vector<16xi32>], vector<16xf32>,
      %add3A_217 = arith.constant 7 : i32
      %add3A_218 = vector.broadcast %add3A_217 : i32 to vector<16xi32>
      %add3A_219 = arith.addi %mul3A_195, %add3A_218 : vector<16xi32>
      tpu.vector_store_idx %arg7[%add3A_219], %div3A_96 : memref<8192xf32, #tpu.memory_space<vmem>>[vector<16xi32>], vector<16xf32>,
      %mul3A_220 = arith.constant 2 : i32
      %mul3A_221 = vector.broadcast %mul3A_220 : i32 to vector<16xi32>
      %mul3A_222 = arith.muli %add3A_192, %mul3A_221 : vector<16xi32>
      tpu.vector_store_idx %arg8[%mul3A_222], %select_n3A_131 : memref<2048xi32, #tpu.memory_space<vmem>>[vector<16xi32>], vector<16xi32>,
      %add3A_223 = arith.constant 1 : i32
      %add3A_224 = vector.broadcast %add3A_223 : i32 to vector<16xi32>
      %add3A_225 = arith.addi %mul3A_222, %add3A_224 : vector<16xi32>
      tpu.vector_store_idx %arg8[%add3A_225], %select_n3A_185 : memref<2048xi32, #tpu.memory_space<vmem>>[vector<16xi32>], vector<16xi32>,
      %add3A_226 = arith.addf %select_n3A_130, %select_n3A_184 : vector<16xf32>
      %div3A_227 = arith.divf %select_n3A_130, %add3A_226 : vector<16xf32>
      tpu.vector_store_idx %arg9[%mul3A_222], %div3A_227 : memref<2048xf32, #tpu.memory_space<vmem>>[vector<16xi32>], vector<16xf32>,
      %add3A_228 = arith.constant 1 : i32
      %add3A_229 = vector.broadcast %add3A_228 : i32 to vector<16xi32>
      %add3A_230 = arith.addi %mul3A_222, %add3A_229 : vector<16xi32>
      %div3A_231 = arith.divf %select_n3A_184, %add3A_226 : vector<16xf32>
      tpu.vector_store_idx %arg9[%add3A_230], %div3A_231 : memref<2048xf32, #tpu.memory_space<vmem>>[vector<16xi32>], vector<16xf32>,
    }
    %scan3A_16 = arith.constant 8 : i32
    %scan3A_17 = arith.constant 1 : i32
    %mul3A_18 = arith.constant 8 : i32
    %mul3A_19 = arith.muli %mul3A_2, %mul3A_18 : i32
    "tpu.region"() ({
      %run_scoped3A = tpu.sem_alloc : memref<!tpu.dma_semaphore, #tpu.memory_space<semaphore_mem>>
      %dma_start3A = tpu.memref_slice %arg3[%mul3A_19] : memref<262144xf32, #tpu.memory_space<hbm>> -> memref<8192xf32, #tpu.memory_space<hbm>>
      %dma_start3A_24 = tpu.memref_slice %arg3[%mul3A_19] : memref<262144xf32, #tpu.memory_space<hbm>> -> memref<8192xf32, #tpu.memory_space<hbm>>
      tpu.enqueue_dma source(%arg7 : memref<8192xf32, #tpu.memory_space<vmem>>) target(%dma_start3A_24 : memref<8192xf32, #tpu.memory_space<hbm>>) target_semaphore(%run_scoped3A : memref<!tpu.dma_semaphore, #tpu.memory_space<semaphore_mem>>)
      %dma_wait3A = tpu.memref_slice %arg3[%mul3A_19] : memref<262144xf32, #tpu.memory_space<hbm>> -> memref<8192xf32, #tpu.memory_space<hbm>>
      %dma_wait3A_25 = tpu.memref_slice %arg3[%mul3A_19] : memref<262144xf32, #tpu.memory_space<hbm>> -> memref<8192xf32, #tpu.memory_space<hbm>>
      tpu.wait_dma2 semaphore(%run_scoped3A : memref<!tpu.dma_semaphore, #tpu.memory_space<semaphore_mem>>) src(%arg7 : memref<8192xf32, #tpu.memory_space<vmem>>) dst(%dma_wait3A_25 : memref<8192xf32, #tpu.memory_space<hbm>>)
      tpu.yield
    }) : () -> ()
    %mul3A_20 = arith.constant 2 : i32
    %mul3A_21 = arith.muli %mul3A_2, %mul3A_20 : i32
    "tpu.region"() ({
      %run_scoped3A = tpu.sem_alloc : memref<!tpu.dma_semaphore, #tpu.memory_space<semaphore_mem>>
      %dma_start3A = tpu.memref_slice %arg4[%mul3A_21] : memref<65536xi32, #tpu.memory_space<hbm>> -> memref<2048xi32, #tpu.memory_space<hbm>>
      %dma_start3A_24 = tpu.memref_slice %arg4[%mul3A_21] : memref<65536xi32, #tpu.memory_space<hbm>> -> memref<2048xi32, #tpu.memory_space<hbm>>
      tpu.enqueue_dma source(%arg8 : memref<2048xi32, #tpu.memory_space<vmem>>) target(%dma_start3A_24 : memref<2048xi32, #tpu.memory_space<hbm>>) target_semaphore(%run_scoped3A : memref<!tpu.dma_semaphore, #tpu.memory_space<semaphore_mem>>)
      %dma_wait3A = tpu.memref_slice %arg4[%mul3A_21] : memref<65536xi32, #tpu.memory_space<hbm>> -> memref<2048xi32, #tpu.memory_space<hbm>>
      %dma_wait3A_25 = tpu.memref_slice %arg4[%mul3A_21] : memref<65536xi32, #tpu.memory_space<hbm>> -> memref<2048xi32, #tpu.memory_space<hbm>>
      tpu.wait_dma2 semaphore(%run_scoped3A : memref<!tpu.dma_semaphore, #tpu.memory_space<semaphore_mem>>) src(%arg8 : memref<2048xi32, #tpu.memory_space<vmem>>) dst(%dma_wait3A_25 : memref<2048xi32, #tpu.memory_space<hbm>>)
      tpu.yield
    }) : () -> ()
    %mul3A_22 = arith.constant 2 : i32
    %mul3A_23 = arith.muli %mul3A_2, %mul3A_22 : i32
    "tpu.region"() ({
      %run_scoped3A = tpu.sem_alloc : memref<!tpu.dma_semaphore, #tpu.memory_space<semaphore_mem>>
      %dma_start3A = tpu.memref_slice %arg5[%mul3A_23] : memref<65536xf32, #tpu.memory_space<hbm>> -> memref<2048xf32, #tpu.memory_space<hbm>>
      %dma_start3A_24 = tpu.memref_slice %arg5[%mul3A_23] : memref<65536xf32, #tpu.memory_space<hbm>> -> memref<2048xf32, #tpu.memory_space<hbm>>
      tpu.enqueue_dma source(%arg9 : memref<2048xf32, #tpu.memory_space<vmem>>) target(%dma_start3A_24 : memref<2048xf32, #tpu.memory_space<hbm>>) target_semaphore(%run_scoped3A : memref<!tpu.dma_semaphore, #tpu.memory_space<semaphore_mem>>)
      %dma_wait3A = tpu.memref_slice %arg5[%mul3A_23] : memref<65536xf32, #tpu.memory_space<hbm>> -> memref<2048xf32, #tpu.memory_space<hbm>>
      %dma_wait3A_25 = tpu.memref_slice %arg5[%mul3A_23] : memref<65536xf32, #tpu.memory_space<hbm>> -> memref<2048xf32, #tpu.memory_space<hbm>>
      tpu.wait_dma2 semaphore(%run_scoped3A : memref<!tpu.dma_semaphore, #tpu.memory_space<semaphore_mem>>) src(%arg9 : memref<2048xf32, #tpu.memory_space<vmem>>) dst(%dma_wait3A_25 : memref<2048xf32, #tpu.memory_space<hbm>>)
      tpu.yield
    }) : () -> ()
    return
  }
}

module attributes {stable_mosaic.version = 14 : i64} {
  func.func @_logits_block(%arg0: i32, %arg1: memref<2048x2048xf32, #tpu.memory_space<vmem>>, %arg2: memref<8x2048xf32, #tpu.memory_space<vmem>>, %arg3: memref<128x128xf32, #tpu.memory_space<vmem>>) attributes {dimension_semantics = [#tpu.dimension_semantics<arbitrary>], iteration_bounds = array<i64: 16>, scalar_prefetch = 0 : i64, scratch_operands = 0 : i64, tpu.core_type = #tpu.core_type<tc>, window_params = [{transform_indices = @transform_0, window_bounds = array<i64: 2048, 2048>}, {pipeline_mode = #tpu.pipeline_mode<synchronous>, transform_indices = @transform_1, window_bounds = array<i64: 8, 2048>}, {transform_indices = @transform_2, window_bounds = array<i64: 128, 128>}]} {
    %get3A = arith.constant 0 : index
    %get3A_0 = arith.constant 0 : index
    %get3A_1 = vector.load %arg2[%get3A, %get3A_0] : memref<8x2048xf32, #tpu.memory_space<vmem>>, vector<8x2048xf32>
    %get3A_2 = arith.constant 0 : index
    %get3A_3 = arith.constant 0 : index
    %get3A_4 = vector.load %arg1[%get3A_2, %get3A_3] : memref<2048x2048xf32, #tpu.memory_space<vmem>>, vector<2048x2048xf32>
    %dot_general3A = arith.constant dense<0.000000e+00> : vector<8x2048xf32>
    %dot_general3A_5 = tpu.matmul %get3A_1, %get3A_4, %dot_general3A {dimension_numbers = #tpu.dot_dimension_numbers<[1], [1], [0], [0], [0, 0, 1, 0], [], []>, transpose_lhs_hint = false} : vector<8x2048xf32>, vector<2048x2048xf32>, vector<8x2048xf32> -> vector<8x2048xf32>
    %slice3A = vector.extract_strided_slice %dot_general3A_5 {offsets = [0, 0], sizes = [8, 128], strides = [1, 1]} : vector<8x2048xf32> to vector<8x128xf32>
    %slice3A_6 = vector.extract_strided_slice %dot_general3A_5 {offsets = [0, 128], sizes = [8, 128], strides = [1, 1]} : vector<8x2048xf32> to vector<8x128xf32>
    %slice3A_7 = vector.extract_strided_slice %dot_general3A_5 {offsets = [0, 256], sizes = [8, 128], strides = [1, 1]} : vector<8x2048xf32> to vector<8x128xf32>
    %slice3A_8 = vector.extract_strided_slice %dot_general3A_5 {offsets = [0, 384], sizes = [8, 128], strides = [1, 1]} : vector<8x2048xf32> to vector<8x128xf32>
    %slice3A_9 = vector.extract_strided_slice %dot_general3A_5 {offsets = [0, 512], sizes = [8, 128], strides = [1, 1]} : vector<8x2048xf32> to vector<8x128xf32>
    %slice3A_10 = vector.extract_strided_slice %dot_general3A_5 {offsets = [0, 640], sizes = [8, 128], strides = [1, 1]} : vector<8x2048xf32> to vector<8x128xf32>
    %slice3A_11 = vector.extract_strided_slice %dot_general3A_5 {offsets = [0, 768], sizes = [8, 128], strides = [1, 1]} : vector<8x2048xf32> to vector<8x128xf32>
    %slice3A_12 = vector.extract_strided_slice %dot_general3A_5 {offsets = [0, 896], sizes = [8, 128], strides = [1, 1]} : vector<8x2048xf32> to vector<8x128xf32>
    %slice3A_13 = vector.extract_strided_slice %dot_general3A_5 {offsets = [0, 1024], sizes = [8, 128], strides = [1, 1]} : vector<8x2048xf32> to vector<8x128xf32>
    %slice3A_14 = vector.extract_strided_slice %dot_general3A_5 {offsets = [0, 1152], sizes = [8, 128], strides = [1, 1]} : vector<8x2048xf32> to vector<8x128xf32>
    %slice3A_15 = vector.extract_strided_slice %dot_general3A_5 {offsets = [0, 1280], sizes = [8, 128], strides = [1, 1]} : vector<8x2048xf32> to vector<8x128xf32>
    %slice3A_16 = vector.extract_strided_slice %dot_general3A_5 {offsets = [0, 1408], sizes = [8, 128], strides = [1, 1]} : vector<8x2048xf32> to vector<8x128xf32>
    %slice3A_17 = vector.extract_strided_slice %dot_general3A_5 {offsets = [0, 1536], sizes = [8, 128], strides = [1, 1]} : vector<8x2048xf32> to vector<8x128xf32>
    %slice3A_18 = vector.extract_strided_slice %dot_general3A_5 {offsets = [0, 1664], sizes = [8, 128], strides = [1, 1]} : vector<8x2048xf32> to vector<8x128xf32>
    %slice3A_19 = vector.extract_strided_slice %dot_general3A_5 {offsets = [0, 1792], sizes = [8, 128], strides = [1, 1]} : vector<8x2048xf32> to vector<8x128xf32>
    %slice3A_20 = vector.extract_strided_slice %dot_general3A_5 {offsets = [0, 1920], sizes = [8, 128], strides = [1, 1]} : vector<8x2048xf32> to vector<8x128xf32>
    %concatenate3A = tpu.concatenate %slice3A, %slice3A_6, %slice3A_7, %slice3A_8, %slice3A_9, %slice3A_10, %slice3A_11, %slice3A_12, %slice3A_13, %slice3A_14, %slice3A_15, %slice3A_16, %slice3A_17, %slice3A_18, %slice3A_19, %slice3A_20 in 0 : vector<8x128xf32>, vector<8x128xf32>, vector<8x128xf32>, vector<8x128xf32>, vector<8x128xf32>, vector<8x128xf32>, vector<8x128xf32>, vector<8x128xf32>, vector<8x128xf32>, vector<8x128xf32>, vector<8x128xf32>, vector<8x128xf32>, vector<8x128xf32>, vector<8x128xf32>, vector<8x128xf32>, vector<8x128xf32> -> vector<128x128xf32>
    %swap3A = arith.constant 0 : index
    %swap3A_21 = arith.constant 0 : index
    %swap3A_22 = vector.load %arg3[%swap3A, %swap3A_21] : memref<128x128xf32, #tpu.memory_space<vmem>>, vector<128x128xf32>
    tpu.vector_store %arg3[%swap3A, %swap3A_21], %concatenate3A {strides = array<i32>} : memref<128x128xf32, #tpu.memory_space<vmem>>, vector<128x128xf32>,
    return
  }
  func.func @transform_0(%arg0: i32) -> (i32, i32) {
    %c0_i32 = arith.constant 0 : i32
    %c0_i32_0 = arith.constant 0 : i32
    return %arg0, %c0_i32 : i32, i32
  }
  func.func @transform_1(%arg0: i32) -> (i32, i32) {
    %c0_i32 = arith.constant 0 : i32
    %c0_i32_0 = arith.constant 0 : i32
    %c0_i32_1 = arith.constant 0 : i32
    return %c0_i32, %c0_i32_0 : i32, i32
  }
  func.func @transform_2(%arg0: i32) -> (i32, i32) {
    %c0_i32 = arith.constant 0 : i32
    %c0_i32_0 = arith.constant 0 : i32
    return %arg0, %c0_i32 : i32, i32
  }
}

</mosaic_0001>

<sc_bundles>
// kernel: kernel.4.cloned.1.call-start
scs
__scs_entry_jumppad:
0x0: {  	(pc) =	sbr.rel $0x88, $3  }
0x1: {  	(tag) =	ssettag $0x0;
	lr =	simm.s32 $0x1  }
0x2: {  	[smem:$0x3F9F] =	sst lr;
	_ =	strace $0xD0000000  }
0x3: {  	_ = 	snop  }
0x4: {  	_ = 	snop  }
0x5: {  	_ = 	snop  }
0x6: {  	_ = 	snop  }
0x7: {  	_ = 	snop  }
__scs_overlays_trampoline_lowered:
0x8: {  	[smem:$0x3FAE] =	sst s0  }
0x9: {  	[smem:$0x3FAF] =	sst s1  }
0xa: {  	[smem:$0x3FB0] =	sst s2  }
0xb: {  	[smem:$0x3FB1] =	sst s3  }
0xc: {  	[smem:$0x3FB2] =	sst s4  }
0xd: {  	[smem:$0x3FB3] =	sst s5  }
0xe: {  	[smem:$0x3FB4] =	sst s6  }
0xf: {  	[smem:$0x3FB5] =	sst s7  }
0x10: {  	[smem:$0x3FB6] =	sst s8  }
0x11: {  	[smem:$0x3FB7] =	sst s9;
	s0 =	simm.s32 @!p0 $0x0  }
0x12: {  	s1 =	sld [smem:$0x3F9D];
	s0 =	simm.s32 @p0 $0x1  }
0x13: {  	[smem:$0x3FB8] =	sst s0;
	s0 =	simm.s32 @!p1 $0x0  }
0x14: {  	s2 =	sld [smem:$0x3F9C];
	s0 =	simm.s32 @p1 $0x1  }
0x15: {  	[smem:$0x3FB9] =	sst s0;
	s0 =	simm.s32 @!p2 $0x0  }
0x16: {  	s3 =	sld [smem:$0x3FDB];
	s0 =	simm.s32 @p2 $0x1  }
0x17: {  	s4 =	simm.s32 $0x1BF5;
	[smem:$0x3FBB] =	sst s0  }
0x18: {  	s0 =	sld [smem:$0x3F9E];
	_ =	swait.ge [sflag:s4], $0x0  }
0x19: {  	s7 =	sld [smem:$0x3F9F]  }
0x1a: {  	s8 =	sadd.s32 $0xFFFFE003, lr  }
0x1b: {  	s9 =	sadd.s32 $0xFFFFFEF7, lr;
	s5 =	simm.s32 $0xFFFFFFFF;
	p2 =	slt.u32 s8, $0xFFFFF086  }
0x1c: {  	p1 =	slt.u32 s9, $0xF7A;
	s5 =	simm.s32 @!p2 $0x0  }
0x1d: {  	s5 =	simm.s32 @p1 $0x1;
	p0 =	seq.s32 s7, s2  }
0x1e: {  	s7 =	smul.u32 @!p0 $0xF7A, s2;
	p2 =	seq.s32 @!p0 s5, $0x0  }
0x1f: {  	s9 =	smul.u32 $0xF7A, s1;
	s8 =	simm.s32 @!p0 $0x1BF5;
	p2 =	por !p2, p0  }
0x20: {  	[sflag:s8] =	ssyncset.s32 @!p0 $0xFFFFF086;
	s6 =	sadd.s32 @!p0 s3, s7;
	s7 =	simm.s32 @!p0 $0x108  }
0x21: {  	s3 =	sadd.s32 s3, s9;
	s6 =	sadd.s32 @!p0 $0x88, s6;
	s7 =	simm.s32 @p2 $0x1082  }
0x22: {  	[simem:s7], [sflag:s8] =	dma.local @!p0 [hbm:s6], $0xF7A  }
0x23: {  	s9 =	sor.u32 $0xD0000000, s2;
	s6 =	simm.s32 $0x108;
	_ =	swait.ge @!p0 [sflag:s8], $0x0  }
0x24: {  	s3 =	sadd.s32 $0x88, s3;
	s6 =	simm.s32 @!p1 $0x1082;
	[sflag:s4] =	ssyncset.s32 $0xFFFFF086  }
0x25: {  	[simem:s6], [sflag:s4] =	dma.local [hbm:s3], $0xF7A  }
0x26: {  	[smem:$0x3F9F] =	sst s1;
	(tag) =	ssettag s2;
	_ =	strace s9  }
0x27: {  	s1 =	sld [smem:$0x3FAF]  }
0x28: {  	s2 =	sld [smem:$0x3FB0]  }
0x29: {  	s4 =	sld [smem:$0x3FB2]  }
0x2a: {  	p0 =	seq.s32 s5, $0x0;
	s5 =	sld [smem:$0x3FB3]  }
0x2b: {  	s6 =	sld [smem:$0x3FB4]  }
0x2c: {  	s7 =	sld [smem:$0x3FB5]  }
0x2d: {  	s3 =	simm.s32 $0x108;
	s8 =	sld [smem:$0x3FB6]  }
0x2e: {  	s3 =	simm.s32 @!p0 $0x1082;
	s9 =	sld [smem:$0x3FB7]  }
0x2f: {  	lr =	sadd.s32 s0, s3;
	s0 =	sld [smem:$0x3FAE]  }
0x30: {  	s3 =	sld [smem:$0x3FB1]  }
0x31: {  	[smem:$0x3FBA] =	sst s10  }
0x32: {  	s10 =	sld [smem:$0x3FB8];
	_ =	sdelay $0x3  }
0x33: {  	p0 =	seq.s32 s10, $0x1;
	s10 =	sld [smem:$0x3FBA];
	_ =	sdelay $0x3  }
0x34: {  	[smem:$0x3FBA] =	sst s10  }
0x35: {  	s10 =	sld [smem:$0x3FB9];
	_ =	sdelay $0x3  }
0x36: {  	p1 =	seq.s32 s10, $0x1;
	s10 =	sld [smem:$0x3FBA];
	_ =	sdelay $0x3  }
0x37: {  	[smem:$0x3FBA] =	sst s10  }
0x38: {  	s10 =	sld [smem:$0x3FBB]  }
0x39: {  	_ = 	snop;
	(pc) =	sbr.ind lr, $3  }
0x3a: {  	_ = 	snop  }
0x3b: {  	_ = 	snop  }
0x3c: {  	p2 =	seq.s32 s10, $0x1;
	s10 =	sld [smem:$0x3FBA]  }
0x3d: {  	_ =	shalt  }
0x3e: {  	_ =	shalt  }
0x3f: {  	_ =	shalt  }
0x40: {  	_ =	shalt  }
0x41: {  	_ =	shalt  }
0x42: {  	_ =	shalt  }
0x43: {  	_ =	shalt  }
0x44: {  	_ =	shalt  }
0x45: {  	_ =	shalt  }
0x46: {  	_ =	shalt  }
0x47: {  	_ =	shalt  }
0x48: {  	_ =	shalt  }
0x49: {  	_ =	shalt  }
0x4a: {  	_ =	shalt  }
0x4b: {  	_ =	shalt  }
0x4c: {  	_ =	shalt  }
0x4d: {  	_ =	shalt  }
0x4e: {  	_ =	shalt  }
0x4f: {  	_ =	shalt  }
0x50: {  	_ =	shalt  }
0x51: {  	_ =	shalt  }
0x52: {  	_ =	shalt  }
0x53: {  	_ =	shalt  }
0x54: {  	_ =	shalt  }
0x55: {  	_ =	shalt  }
0x56: {  	_ =	shalt  }
0x57: {  	_ =	shalt  }
0x58: {  	_ =	shalt  }
0x59: {  	_ =	shalt  }
0x5a: {  	_ =	shalt  }
0x5b: {  	_ =	shalt  }
0x5c: {  	_ =	shalt  }
0x5d: {  	_ =	shalt  }
0x5e: {  	_ =	shalt  }
0x5f: {  	_ =	shalt  }
0x60: {  	_ =	shalt  }
0x61: {  	_ =	shalt  }
0x62: {  	_ =	shalt  }
0x63: {  	_ =	shalt  }
0x64: {  	_ =	shalt  }
0x65: {  	_ =	shalt  }
0x66: {  	_ =	shalt  }
0x67: {  	_ =	shalt  }
0x68: {  	_ =	shalt  }
0x69: {  	_ =	shalt  }
0x6a: {  	_ =	shalt  }
0x6b: {  	_ =	shalt  }
0x6c: {  	_ =	shalt  }
0x6d: {  	_ =	shalt  }
0x6e: {  	_ =	shalt  }
0x6f: {  	_ =	shalt  }
0x70: {  	_ =	shalt  }
0x71: {  	_ =	shalt  }
0x72: {  	_ =	shalt  }
0x73: {  	_ =	shalt  }
0x74: {  	_ =	shalt  }
0x75: {  	_ =	shalt  }
0x76: {  	_ =	shalt  }
0x77: {  	_ =	shalt  }
0x78: {  	_ =	shalt  }
0x79: {  	_ =	shalt  }
0x7a: {  	_ =	shalt  }
0x7b: {  	_ =	shalt  }
0x7c: {  	_ =	shalt  }
0x7d: {  	_ =	shalt  }
0x7e: {  	_ =	shalt  }
0x7f: {  	_ =	shalt  }
0x80: {  	_ =	shalt  }
0x81: {  	_ =	shalt  }
0x82: {  	_ =	shalt  }
0x83: {  	_ =	shalt  }
0x84: {  	_ =	shalt  }
0x85: {  	_ =	shalt  }
0x86: {  	_ =	shalt  }
0x87: {  	_ =	shalt  }
.Lfunc_end0:
.L_simem_size_0:
called_computation_lowered:
.L_overlay_start_0:
0x88: {  	s2 =	sld [smem:$0x3FD9]  }
0x89: {  	s3 =	sld [smem:$0x3FFE];
	_ =	sdelay $0x1  }
0x8a: {  	s1 =	srdreg.scid  }
0x8b: {  	s0 =	sand.u32 $0x1, s1  }
0x8c: {  	s14 =	sshll.u32 s0, $0xA;
	s2 =	sadd.s32 s3, s2  }
0x8d: {  	s2 =	sadd.s32 s2, s14  }
0x8e: {  	[smem:$0x3FC6] =	sst s2  }
0x8f: {  	_ = 	snop  }
0x90: {  	s2 =	sld [smem:$0x3FD0];
	_ =	sdelay $0x2  }
0x91: {  	s15 =	simm.s32 $0xA;
	s4 =	simm.s32 $0x10  }
0x92: {  	[smem:s4], [sflag:s15] =	dma.local [hbm:s2], $0x1  }
0x93: {  	_ =	swait.eq [sflag:s15], $0x1  }
0x94: {  	[sflag:s15] =	ssyncset.done $0x0  }
0x95: {  	s16 =	sld [smem:$0x10];
	[sflag:s15] =	ssyncadd.s32 $0xFFFFFFFF  }
0x96: {  	s17 =	sld [smem:$0x12];
	(tm) =	ssettm $0x1  }
0x97: {  	s18 =	sld [smem:$0x3FFB];
	_ =	sdelay $0x3  }
0x98: {  	_ =	strace s18  }
0x99: {  	s4 =	sld [smem:$0x3FFC];
	_ =	sdelay $0x3  }
0x9a: {  	_ =	strace s4  }
0x9b: {  	s4 =	sld [smem:$0x3FFD];
	_ =	sdelay $0x3  }
0x9c: {  	_ =	strace s4  }
0x9d: {  	_ =	strace $0x8FFFFFFF  }
0x9e: {  	s19 =	sld [smem:$0x3FDB];
	_ =	sdelay $0x1  }
0x9f: {  	s5 =	simm.s32 $_scs_section_size  }
0xa0: {  	s6 =	simm.s32 $_size__tile_overlayer_lowered;
	s7 =	simm.s32 $_tile_overlayer_lowered  }
0xa1: {  	s22 =	simm.s32 $0x1BFF;
	s21 =	sshll.u32 s7, $0x1;
	s4 =	sadd.s32 s5, s19  }
0xa2: {  	s8 =	simm.s32 $0x0;
	s20 =	sshll.u32 s6, $0x1;
	s6 =	sadd.s32 s21, s4  }
0xa3: {  	[timem:s8], [sflag:s22] =	dma.local [hbm:s6], s20  }
0xa4: {  	_ =	swait.ge [sflag:s22], s20  }
0xa5: {  	s5 =	ssub.s32 $0x0, s20;
	[sflag:s22] =	ssyncset.done $0x0  }
0xa6: {  	[sflag:s22] =	ssyncadd.s32 s5;
	_ =	sdelay $0x1  }
0xa7: {  	s23 =	simm.s32 $0x1B8B  }
0xa8: {  	_ =	swait.ge [sflag:s23], $0x1  }
0xa9: {  	[sflag:s23] =	ssyncset.done $0x0  }
0xaa: {  	s25 =	simm.s32 $0x1B8E;
	s24 =	sld [smem:$0x3FFE];
	[sflag:s23] =	ssyncadd.s32 $0xFFFFFFFF  }
0xab: {  	s26 =	simm.s32 $execute0_lowered;
	[smem:$0x3FD2] =	sst s25  }
0xac: {  	s6 =	sshll.u32 s26, $0x1;
	_ =	strace $0x80000046;
	[dreg:$0x1] =	wrdreg $0xFFFFFFFF  }
0xad: {  	s28 =	simm.s32 $_size_execute0_lowered;
	s4 =	sadd.s32 s4, s6;
	[dreg:$0x0] =	wrdreg $0x0  }
0xae: {  	s6 =	sshll.u32 s28, $0x1;
	[dreg:$0x2] =	wrdreg s4  }
0xaf: {  	[dreg:$0x3] =	wrdreg s6  }
0xb0: {  	[dreg:$0x4] =	wrdreg $0xC0  }
0xb1: {  	_ =	task [dreg:s8], $0x5FFFF  }
0xb2: {  	[dreg:$0x1] =	wrdreg $0xFFFFFFFF  }
0xb3: {  	[dreg:$0x0] =	wrdreg $0x60  }
0xb4: {  	[dreg:$0x2] =	wrdreg s16  }
0xb5: {  	[dreg:$0x3] =	wrdreg s24  }
0xb6: {  	[dreg:$0x4] =	wrdreg s17  }
0xb7: {  	[dreg:$0x5] =	wrdreg $0x9  }
0xb8: {  	_ =	task.clear_ibuf [dreg:s8], $0x6FFFF;
	_ =	strace $0x90000046  }
0xb9: {  	s29 =	simm.s32 $0x9;
	_ =	strace $0x80000048  }
0xba: {  	_ =	swait.ge [sflag:s29], $0x1  }
0xbb: {  	[sflag:s29] =	ssyncadd.s32 $0xFFFFFFFF  }
0xbc: {  	_ =	strace $0x90000048  }
0xbd: {  	_ =	sfence  }
0xbe: {  	s30 =	sld [smem:$0x0];
	_ =	sdelay $0x2  }
0xbf: {  	s31 =	sshll.u32 s1, $0xD;
	s1 =	sshrl.u32 s1, $0x2  }
0xc0: {  	s3 =	sand.u32 $0x4000, s31;
	s1 =	sadd.s32 s1, s30  }
0xc1: {  	s0 =	sor.u32 s3, s0;
	s1 =	sshll.u32 s1, $0x11  }
0xc2: {  	s0 =	sor.u32 s1, s0  }
0xc3: {  	s0 =	sadd.s32 $0x8F2B, s0  }
0xc4: {  	[sflag:s0] =	ssyncadd.remote.s32 $0x1  }
0xc5: {  	_ =	sfence.sel $0xFFFF  }
0xc6: {  	[dreg:$0x0] =	wrdreg $0xFFFFFFFF;
	(pc) =	sbr.abs _section_cstart, $3  }
0xc7: {  	[dreg:$0x1] =	wrdreg $0xFFFFFFFF  }
0xc8: {  	_ =	task.clear_ibuf [dreg:s8], $0x2FFFF;
	_ =	strace $0x9FFFFFFF  }
0xc9: {  	(tm) =	ssettm $0x7FFFFFFF  }
tec
execute0_lowered:
.L_overlay_start_1:
0x0: {  	(tag) =	ssettag $0x1  }
0x1: {  	s3 =	rddreg [dreg:$0x0]  }
0x2: {  	s4 =	rddreg [dreg:$0x1]  }
0x3: {  	s5 =	rddreg [dreg:$0x2]  }
0x4: {  	s0 =	rddreg [dreg:$0x3];
	s6 =	srdreg.scid  }
0x5: {  	s1 =	stileid.u32;
	s2 =	simm.s32 $0x0;
	s12 =	simm.s32 $0x0  }
0x6: {  	s6 =	sand.u32 $0x1, s6;
	s7 =	sshll.u32 s1, $0x1;
	[smem:$0x7FF] =	sst s2  }
0x7: {  	s7 =	sor.u32 s6, s7;
	_ =	strace $0x80000047;
	s6 =	ssub.s32 $0x2, s6  }
0x8: {  	s8 =	sshll.u32 s7, $0xA;
	s7 =	sshll.u32 s7, $0x8;
	s10 =	sshrl.u32 s6, $0x1  }
0x9: {  	s9 =	sadd.s32 s8, s4;
	s11 =	sadd.s32 s7, s4;
	s10 =	ssub.s32 s6, s10  }
0xa: {  	s3 =	sadd.s32 s3, s8;
	s5 =	sadd.s32 s5, s7;
	s8 =	simm.s32 $0x1  }
0xb: {  	s4 =	sadd.s32 $0x1000, s9;
	s6 =	sadd.s32 $0x9000, s11;
	s7 =	smax.u32 s10, $0x1  }
0xc: {  	v0 =	vimm.s32 $0x0;
	v1 =	vlaneseq.u32;
	s9 =	simm.s32 $0x2000;
	s10 =	simm.s32 $0x4000;
	s11 =	simm.s32 $0x4800  }
.LBB2_1:
0xd: {  	[tilespmem:s2], [sflag:$0x1] =	stream.linear.gather [hbm4b:s3+s2], $0x2000, $0x38;
	[tilespmem:$0x5000] =	vst v63  }
0xe: {  	_ =	swait.ge [sflag:s8], $0x2000  }
0xf: {  	[sflag:s8] =	ssyncset.done $0x0  }
0x10: {  	s13 =	simm.s32 $0x200;
	[sflag:s8] =	ssyncadd.s32 $0xFFFFE000  }
0x11: {  	v2 =	vld [tilespmem:s13+$0xFFFFFE00]  }
0x12: {  	v3 =	vld [tilespmem:s13+$0xFFFFFE80]  }
0x13: {  	v4 =	vld [tilespmem:s13+$0xFFFFFF00]  }
0x14: {  	v5 =	vld [tilespmem:s13+$0xFFFFFF80]  }
0x15: {  	v6 =	vld [tilespmem:s13+$0x0]  }
0x16: {  	v7 =	vld [tilespmem:s13+$0x80]  }
0x17: {  	v8 =	vld [tilespmem:s13+$0x100];
	v9 =	vmax.f32 v2, v3  }
0x18: {  	v10 =	vld [tilespmem:s13+$0x180];
	v9 =	vmax.f32 v9, v4  }
0x19: {  	v9 =	vmax.f32 v9, v5  }
0x1a: {  	v9 =	vmax.f32 v9, v6  }
0x1b: {  	v9 =	vmax.f32 v9, v7  }
0x1c: {  	v9 =	vmax.f32 v9, v8  }
0x1d: {  	v9 =	vmax.f32 v9, v10  }
0x1e: {  	v2 =	vsub.f32 v2, v9  }
0x1f: {  	v3 =	vsub.f32 v3, v9  }
0x20: {  	v2 =	vmul.f32 $1.442695020e+00, v2  }
0x21: {  	v4 =	vsub.f32 v4, v9;
	v3 =	vmul.f32 $1.442695020e+00, v3  }
0x22: {  	(erf) = vpow2.f32 v2  }
0x23: {  	v4 =	vmul.f32 $1.442695020e+00, v4;
	v2 =	vsub.f32 v5, v9;
	(erf) = vpow2.f32 v3  }
0x24: {  	v3 =	vsub.f32 v6, v9  }
0x25: {  	v2 =	vmul.f32 $1.442695020e+00, v2;
	(erf) = vpow2.f32 v4;
	v4 =	vsub.f32 v7, v9  }
0x26: {  	v3 =	vmul.f32 $1.442695020e+00, v3  }
0x27: {  	(erf) = vpow2.f32 v2;
	v4 =	vmul.f32 $1.442695020e+00, v4;
	_ =	sdelay $0x1  }
0x28: {  	v2 =	vsub.f32 v8, v9;
	(erf) = vpow2.f32 v3  }
0x29: {  	v3 =	vsub.f32 v10, v9  }
0x2a: {  	v2 =	vmul.f32 $1.442695020e+00, v2;
	(erf) = vpow2.f32 v4;
	v4 =	vpop (erf)  }
0x2b: {  	v3 =	vmul.f32 $1.442695020e+00, v3;
	v5 =	vpop (erf)  }
0x2c: {  	(erf) = vpow2.f32 v2;
	v2 =	vadd.f32 v5, v4  }
0x2d: {  	v6 =	vpop (erf)  }
0x2e: {  	(erf) = vpow2.f32 v3;
	v2 =	vadd.f32 v2, v6  }
0x2f: {  	v3 =	vpop (erf)  }
0x30: {  	v2 =	vadd.f32 v2, v3  }
0x31: {  	v7 =	vpop (erf)  }
0x32: {  	v2 =	vadd.f32 v2, v7  }
0x33: {  	v52 =	vpop (erf)  }
0x34: {  	v2 =	vadd.f32 v2, v52  }
0x35: {  	v53 =	vpop (erf)  }
0x36: {  	v2 =	vadd.f32 v2, v53  }
0x37: {  	v54 =	vpop (erf)  }
0x38: {  	v2 =	vadd.f32 v2, v54;
	_ =	sdelay $0x1  }
0x39: {  	(erf) = vrcp.f32 v2;
	_ =	sdelay $0x8  }
0x3a: {  	v2 =	vpop (erf)  }
0x3b: {  	v4 =	vmul.f32 v2, v4;
	v5 =	vmul.f32 v2, v5;
	_ =	sdelay $0x1  }
0x3c: {  	v6 =	vmul.f32 v2, v6;
	vm0 =	vgt.f32 v5, v4  }
0x3d: {  	v11 =	vsel vm0, v5, v4  }
0x3e: {  	v3 =	vmul.f32 v2, v3;
	vm1 =	vgt.f32 v6, v11  }
0x3f: {  	v11 =	vsel vm1, v6, v11  }
0x40: {  	v7 =	vmul.f32 v2, v7;
	vm2 =	vgt.f32 v3, v11  }
0x41: {  	v11 =	vsel vm2, v3, v11  }
0x42: {  	v8 =	vmul.f32 v2, v52;
	vm3 =	vgt.f32 v7, v11  }
0x43: {  	v11 =	vsel vm3, v7, v11  }
0x44: {  	v9 =	vmul.f32 v2, v53;
	v12 =	vsel vm0, $0x1, v0;
	vm15 =	vgt.f32 v8, v11  }
0x45: {  	v12 =	vsel vm1, $0x2, v12;
	v11 =	vsel vm15, v8, v11  }
0x46: {  	v10 =	vmul.f32 v2, v54;
	v2 =	vsel vm2, $0x3, v12;
	vm4 =	vgt.f32 v9, v11  }
0x47: {  	v2 =	vsel vm3, $0x4, v2;
	v11 =	vsel vm4, v9, v11  }
0x48: {  	v2 =	vsel vm15, $0x5, v2;
	vm8 =	vgt.f32 v10, v11  }
0x49: {  	v2 =	vsel vm4, $0x6, v2;
	vm5 =	vmneg vm8  }
0x4a: {  	v55 =	vnsel vm5, $0x7, v2  }
0x4b: {  	vm9 =	veq.s32 v55, $0x0;
	vm10 =	veq.s32 v55, $0x1  }
0x4c: {  	v2 =	vsel vm9, $0xBF800000, v4;
	v13 =	vsel vm10, $0xBF800000, v5  }
0x4d: {  	vm11 =	veq.s32 v55, $0x2;
	vm0 =	vgt.f32 v13, v2  }
0x4e: {  	v14 =	vsel vm11, $0xBF800000, v6;
	v2 =	vsel vm0, v13, v2  }
0x4f: {  	vm12 =	veq.s32 v55, $0x3;
	vm1 =	vgt.f32 v14, v2  }
0x50: {  	v56 =	vsel vm12, $0xBF800000, v3;
	v2 =	vsel vm1, v14, v2  }
0x51: {  	vm13 =	veq.s32 v55, $0x4;
	vm2 =	vgt.f32 v56, v2  }
0x52: {  	v57 =	vsel vm13, $0xBF800000, v7;
	v2 =	vsel vm2, v56, v2  }
0x53: {  	vm6 =	veq.s32 v55, $0x5;
	vm3 =	vgt.f32 v57, v2  }
0x54: {  	v58 =	vsel vm6, $0xBF800000, v8;
	v2 =	vsel vm3, v57, v2  }
0x55: {  	vm14 =	vmand vm4, vm5;
	vm15 =	vgt.f32 v58, v2  }
0x56: {  	v59 =	vsel vm14, $0xBF800000, v9;
	v2 =	vsel vm15, v58, v2  }
0x57: {  	vm6 =	vgt.f32 v59, v2  }
0x58: {  	v60 =	vor.u32 s2, v1;
	v15 =	vnsel vm5, $0xBF800000, v10;
	v2 =	vsel vm6, v59, v2  }
0x59: {  	v61 =	vshll.u32 v60, $0x3;
	vm7 =	vgt.f32 v15, v2  }
0x5a: {  	v16 =	vor.u32 $0x1, v61;
	v11 =	vsel vm5, v11, v10;
	v15 =	vsel vm7, v15, v2  }
0x5b: {  	v2 =	vor.u32 $0x2, v61;
	v17 =	vadd.f32 v15, v11  }
0x5c: {  	v18 =	vor.u32 $0x3, v61  }
0x5d: {  	v62 =	vor.u32 $0x4, v61;
	(erf) = vrcp.f32 v17  }
0x5e: {  	[tilespmem:v61+s9+$0x0] =	vst.idx.msk $0xffff, v4;
	v4 =	vor.u32 $0x5, v61  }
0x5f: {  	[tilespmem:v16+s9+$0x0] =	vst.idx.msk $0xffff, v5;
	v5 =	vor.u32 $0x6, v61  }
0x60: {  	v63 =	vsel vm0, $0x1, v0;
	[tilespmem:v2+s9+$0x0] =	vst.idx.msk $0xffff, v6;
	v6 =	vor.u32 $0x7, v61  }
0x61: {  	v2 =	vshll.u32 v60, $0x1;
	[tilespmem:v18+s9+$0x0] =	vst.idx.msk $0xffff, v3;
	v3 =	vsel vm1, $0x2, v63  }
0x62: {  	[tilespmem:v62+s9+$0x0] =	vst.idx.msk $0xffff, v7;
	v7 =	vsel vm2, $0x3, v3;
	v3 =	vor.u32 $0x1, v2  }
0x63: {  	[tilespmem:v4+s9+$0x0] =	vst.idx.msk $0xffff, v8;
	v4 =	vsel vm3, $0x4, v7  }
0x64: {  	[tilespmem:v5+s9+$0x0] =	vst.idx.msk $0xffff, v9;
	v4 =	vsel vm15, $0x5, v4  }
0x65: {  	[tilespmem:v6+s9+$0x0] =	vst.idx.msk $0xffff, v10;
	v4 =	vsel vm6, $0x6, v4  }
0x66: {  	[tilespmem:v2+s10+$0x0] =	vst.idx.msk $0xffff, v55;
	v4 =	vsel vm7, $0x7, v4;
	v6 =	vpop (erf)  }
0x67: {  	s14 =	simm.s32 $0x10;
	[tilespmem:v3+s10+$0x0] =	vst.idx.msk $0xffff, v4;
	v5 =	vmul.f32 v6, v11;
	v4 =	vmul.f32 v6, v15  }
.LBB2_2:
0x68: {  	p0 =	sne.s32 s14, $0x70  }
0x69: {  	s13 =	sadd.s32 $0x10, s13;
	s15 =	smov.u32 s14;
	s14 =	sadd.s32 $0x10, s14;
	[tilespmem:v2+s11+$0x0] =	vst.idx.msk $0xffff, v5  }
0x6a: {  	[tilespmem:v3+s11+$0x0] =	vst.idx.msk $0xffff, v4  }
0x6b: {  	v2 =	vld [tilespmem:s13+$0xFFFFFE00]  }
0x6c: {  	v3 =	vld [tilespmem:s13+$0xFFFFFE80]  }
0x6d: {  	v4 =	vld [tilespmem:s13+$0xFFFFFF00]  }
0x6e: {  	v5 =	vld [tilespmem:s13+$0xFFFFFF80]  }
0x6f: {  	v6 =	vld [tilespmem:s13+$0x0]  }
0x70: {  	v7 =	vld [tilespmem:s13+$0x80]  }
0x71: {  	v8 =	vld [tilespmem:s13+$0x100];
	v9 =	vmax.f32 v2, v3  }
0x72: {  	v10 =	vld [tilespmem:s13+$0x180];
	v9 =	vmax.f32 v9, v4  }
0x73: {  	v9 =	vmax.f32 v9, v5  }
0x74: {  	v9 =	vmax.f32 v9, v6  }
0x75: {  	v9 =	vmax.f32 v9, v7  }
0x76: {  	v9 =	vmax.f32 v9, v8  }
0x77: {  	v9 =	vmax.f32 v9, v10  }
0x78: {  	v2 =	vsub.f32 v2, v9;
	v3 =	vsub.f32 v3, v9  }
0x79: {  	v4 =	vsub.f32 v4, v9;
	v5 =	vsub.f32 v5, v9  }
0x7a: {  	v6 =	vsub.f32 v6, v9;
	v2 =	vmul.f32 $1.442695020e+00, v2;
	v3 =	vmul.f32 $1.442695020e+00, v3  }
0x7b: {  	v7 =	vsub.f32 v7, v9;
	v4 =	vmul.f32 $1.442695020e+00, v4;
	v5 =	vmul.f32 $1.442695020e+00, v5  }
0x7c: {  	v8 =	vsub.f32 v8, v9;
	v6 =	vmul.f32 $1.442695020e+00, v6;
	(erf) = vpow2.f32 v2  }
0x7d: {  	v2 =	vmul.f32 $1.442695020e+00, v7;
	v7 =	vsub.f32 v10, v9;
	(erf) = vpow2.f32 v3  }
0x7e: {  	v3 =	vmul.f32 $1.442695020e+00, v8;
	(erf) = vpow2.f32 v4  }
0x7f: {  	v4 =	vmul.f32 $1.442695020e+00, v7  }
0x80: {  	(erf) = vpow2.f32 v5;
	_ =	sdelay $0x1  }
0x81: {  	(erf) = vpow2.f32 v6;
	_ =	sdelay $0x1  }
0x82: {  	(erf) = vpow2.f32 v2  }
0x83: {  	v2 =	vpop (erf)  }
0x84: {  	v5 =	vpop (erf);
	(erf) = vpow2.f32 v3  }
0x85: {  	v3 =	vadd.f32 v5, v2;
	v6 =	vpop (erf)  }
0x86: {  	(erf) = vpow2.f32 v4  }
0x87: {  	v3 =	vadd.f32 v3, v6;
	v4 =	vpop (erf);
	_ =	sdelay $0x1  }
0x88: {  	v3 =	vadd.f32 v3, v4;
	v7 =	vpop (erf);
	_ =	sdelay $0x1  }
0x89: {  	v3 =	vadd.f32 v3, v7;
	v8 =	vpop (erf);
	_ =	sdelay $0x1  }
0x8a: {  	v3 =	vadd.f32 v3, v8;
	v9 =	vpop (erf);
	_ =	sdelay $0x1  }
0x8b: {  	v3 =	vadd.f32 v3, v9;
	v10 =	vpop (erf);
	_ =	sdelay $0x1  }
0x8c: {  	v3 =	vadd.f32 v3, v10;
	_ =	sdelay $0x1  }
0x8d: {  	(erf) = vrcp.f32 v3;
	_ =	sdelay $0x5  }
0x8e: {  	v3 =	vor.u32 s15, v1  }
0x8f: {  	v11 =	vshll.u32 v3, $0x3  }
0x90: {  	v12 =	vor.u32 $0x1, v11  }
0x91: {  	v13 =	vor.u32 $0x2, v11;
	v14 =	vpop (erf)  }
0x92: {  	v15 =	vmul.f32 v14, v2;
	v5 =	vmul.f32 v14, v5;
	v2 =	vor.u32 $0x3, v11  }
0x93: {  	v6 =	vmul.f32 v14, v6  }
0x94: {  	v16 =	vor.u32 $0x4, v11;
	vm0 =	vgt.f32 v5, v15;
	[tilespmem:v11+s9+$0x0] =	vst.idx.msk $0xffff, v15  }
0x95: {  	v4 =	vmul.f32 v14, v4;
	v17 =	vsel vm0, v5, v15;
	[tilespmem:v12+s9+$0x0] =	vst.idx.msk $0xffff, v5  }
0x96: {  	v12 =	vor.u32 $0x5, v11;
	vm1 =	vgt.f32 v6, v17;
	[tilespmem:v13+s9+$0x0] =	vst.idx.msk $0xffff, v6  }
0x97: {  	v7 =	vmul.f32 v14, v7;
	v13 =	vsel vm1, v6, v17;
	[tilespmem:v2+s9+$0x0] =	vst.idx.msk $0xffff, v4  }
0x98: {  	v2 =	vor.u32 $0x6, v11;
	vm2 =	vgt.f32 v4, v13  }
0x99: {  	v8 =	vmul.f32 v14, v8;
	v13 =	vsel vm2, v4, v13;
	[tilespmem:v16+s9+$0x0] =	vst.idx.msk $0xffff, v7  }
0x9a: {  	v11 =	vor.u32 $0x7, v11;
	vm3 =	vgt.f32 v7, v13  }
0x9b: {  	v9 =	vmul.f32 v14, v9;
	v16 =	vsel vm0, $0x1, v0;
	v13 =	vsel vm3, v7, v13;
	[tilespmem:v12+s9+$0x0] =	vst.idx.msk $0xffff, v8  }
0x9c: {  	v12 =	vsel vm1, $0x2, v16;
	vm0 =	vgt.f32 v8, v13  }
0x9d: {  	v10 =	vmul.f32 v14, v10;
	v12 =	vsel vm2, $0x3, v12;
	v13 =	vsel vm0, v8, v13;
	[tilespmem:v2+s9+$0x0] =	vst.idx.msk $0xffff, v9  }
0x9e: {  	v12 =	vsel vm3, $0x4, v12;
	v2 =	vshll.u32 v3, $0x1;
	vm1 =	vgt.f32 v9, v13  }
0x9f: {  	v3 =	vsel vm0, $0x5, v12;
	v12 =	vsel vm1, v9, v13;
	[tilespmem:v11+s9+$0x0] =	vst.idx.msk $0xffff, v10  }
0xa0: {  	v3 =	vsel vm1, $0x6, v3;
	vm0 =	vgt.f32 v10, v12  }
0xa1: {  	vm0 =	vmneg vm0  }
0xa2: {  	v11 =	vsel vm0, v12, v10;
	v3 =	vnsel vm0, $0x7, v3;
	vm1 =	vmand vm1, vm0  }
0xa3: {  	vm2 =	veq.s32 v3, $0x0;
	vm3 =	veq.s32 v3, $0x1;
	vm4 =	veq.s32 v3, $0x2;
	[tilespmem:v2+s10+$0x0] =	vst.idx.msk $0xffff, v3  }
0xa4: {  	v12 =	vsel vm2, $0xBF800000, v15;
	v5 =	vsel vm3, $0xBF800000, v5;
	vm2 =	veq.s32 v3, $0x3  }
0xa5: {  	v6 =	vsel vm4, $0xBF800000, v6;
	vm4 =	veq.s32 v3, $0x4;
	vm3 =	vgt.f32 v5, v12  }
0xa6: {  	v5 =	vsel vm3, v5, v12;
	v12 =	vsel vm3, $0x1, v0;
	vm3 =	veq.s32 v3, $0x5  }
0xa7: {  	v3 =	vsel vm2, $0xBF800000, v4;
	vm5 =	vgt.f32 v6, v5  }
0xa8: {  	v4 =	vsel vm5, v6, v5;
	v5 =	vsel vm5, $0x2, v12  }
0xa9: {  	v6 =	vsel vm4, $0xBF800000, v7;
	vm2 =	vgt.f32 v3, v4  }
0xaa: {  	v3 =	vsel vm2, v3, v4;
	v4 =	vsel vm2, $0x3, v5  }
0xab: {  	v5 =	vsel vm3, $0xBF800000, v8;
	vm2 =	vgt.f32 v6, v3  }
0xac: {  	v3 =	vsel vm2, v6, v3;
	v4 =	vsel vm2, $0x4, v4  }
0xad: {  	v6 =	vsel vm1, $0xBF800000, v9;
	vm2 =	vgt.f32 v5, v3  }
0xae: {  	v5 =	vsel vm2, v5, v3;
	v4 =	vsel vm2, $0x5, v4;
	v3 =	vor.u32 $0x1, v2  }
0xaf: {  	v7 =	vnsel vm0, $0xBF800000, v10;
	vm1 =	vgt.f32 v6, v5  }
0xb0: {  	v5 =	vsel vm1, v6, v5;
	v4 =	vsel vm1, $0x6, v4  }
0xb1: {  	vm0 =	vgt.f32 v7, v5  }
0xb2: {  	v6 =	vsel vm0, v7, v5;
	v4 =	vsel vm0, $0x7, v4  }
0xb3: {  	[tilespmem:v3+s10+$0x0] =	vst.idx.msk $0xffff, v4;
	v4 =	vadd.f32 v6, v11;
	_ =	sdelay $0x1  }
0xb4: {  	(erf) = vrcp.f32 v4;
	_ =	sdelay $0x5  }
.Ltmp0:
0xb5: {  	(pc) =	sbr.rel @p0 .LBB2_2-.Ltmp0, $3  }
0xb6: {  	_ =	sdelay $0x1  }
0xb7: {  	v4 =	vpop (erf)  }
0xb8: {  	v5 =	vmul.f32 v4, v11;
	v4 =	vmul.f32 v4, v6  }
0xb9: {  	_ =	sdelay $0x3  }
0xba: {  	[tilespmem:v2+s11+$0x0] =	vst.idx.msk $0xffff, v5  }
0xbb: {  	[tilespmem:v3+s11+$0x0] =	vst.idx.msk $0xffff, v4  }
0xbc: {  	[hbm4b:s4+s2] =	stream.linear.scatter [tilespmem:s9], [sflag:$0x1], $0x2000, $0x38;
	[tilespmem:$0x5000] =	vst v63  }
0xbd: {  	_ =	swait.ge [sflag:s8], $0x2000  }
0xbe: {  	[sflag:s8] =	ssyncset.done $0x0  }
0xbf: {  	[sflag:s8] =	ssyncadd.s32 $0xFFFFE000  }
0xc0: {  	[hbm4b:s5+s2] =	stream.linear.scatter [tilespmem:s10], [sflag:$0x1], $0x800, $0x38;
	[tilespmem:$0x5000] =	vst v63  }
0xc1: {  	s12 =	sadd.s32 $0x1, s12;
	_ =	swait.ge [sflag:s8], $0x800  }
0xc2: {  	p0 =	sne.s32 s12, s7;
	[sflag:s8] =	ssyncset.done $0x0  }
.Ltmp1:
0xc3: {  	[sflag:s8] =	ssyncadd.s32 $0xFFFFF800;
	(pc) =	sbr.rel @p0 .LBB2_1-.Ltmp1, $4  }
0xc4: {  	[hbm4b:s6+s2] =	stream.linear.scatter [tilespmem:s11], [sflag:$0x1], $0x800, $0x38;
	[tilespmem:$0x5000] =	vst v63  }
0xc5: {  	_ =	swait.ge [sflag:s8], $0x800  }
0xc6: {  	[sflag:s8] =	ssyncset.done $0x0  }
0xc7: {  	[sflag:s8] =	ssyncadd.s32 $0xFFFFF800  }
0xc8: {  	_ =	sfence.sel $0x180000  }
0xc9: {  	[bflag:$0x0] =	sbarrier.arrive $0xFFFF  }
0xca: {  	p0 =	sne.s32 s1, $0x0;
	_ =	strace $0x90000047  }
0xcb: {  	s0 =	sadd.s32 @!p0 $0x100000, s0;
	[bflag:$0x2] =	sbarrier.arrive $0xFFFF  }
0xcc: {  	[sflag:s0] =	ssyncadd.tile.s32 @!p0 $0x1;
	_ =	shalt  }
.Lfunc_end2:
_tile_overlayer_lowered:
.L_overlay_start_2:
0xcd: {  	(tag) =	ssettag $0x2  }
0xce: {  	s0 =	rddreg [dreg:$0x0];
	s2 =	stileid.u32  }
0xcf: {  	s1 =	rddreg [dreg:$0x1];
	p0 =	sne.s32 s2, $0x0  }
0xd0: {  	s3 =	rddreg [dreg:$0x2];
	[bflag:$0x3] =	sbarrier.arrive $0xFFFF;
	s2 =	simm.s32 @!p0 $0x1C01  }
0xd1: {  	[timem:s3], [sflag:s2] =	dma.local @!p0 [hbm:s0], s1  }
0xd2: {  	s0 =	simm.s32 @!p0 $0x1  }
0xd3: {  	_ =	swait.ge @!p0 [sflag:s0], s1  }
0xd4: {  	s1 =	ssub.s32 @!p0 $0x0, s1;
	[sflag:s0] =	ssyncset.done @!p0 $0x0  }
0xd5: {  	[sflag:s0] =	ssyncadd.s32 @!p0 s1  }
0xd6: {  	[bflag:$0x3] =	sbarrier.arrive $0xFFFF  }
0xd7: {  	_ =	shalt  }

</sc_bundles>
